<compile_context>
chip_gen: v7x
topology: tpu7x:2x2x1
jax: 0.10.2.dev20260603
libtpu: 0.0.44.dev20260713+nightly
codegen_flags: <defaults>
</compile_context>

<pallas_src>
import functools

import jax
import jax.numpy as jnp
from jax import lax
from jax.experimental import pallas as pl
from jax.experimental.pallas import tpu as pltpu
from jax.experimental.pallas import tpu_sc as plsc

_CACHE = 32768
_SEQ = 2048
_NW = 32
_L = 16
_C_W = _CACHE // _NW
_I_W = _SEQ // _NW

_mesh = plsc.VectorSubcoreMesh(core_axis_name="c", subcore_axis_name="s")


@functools.partial(
    pl.kernel,
    out_type=(
        jax.ShapeDtypeStruct((_SEQ,), jnp.uint32),
        jax.ShapeDtypeStruct((_CACHE,), jnp.uint32),
        jax.ShapeDtypeStruct((_CACHE,), jnp.uint32),
    ),
    mesh=_mesh,
    scratch_types=(
        pltpu.VMEM((_L,), jnp.uint32),
        pltpu.VMEM((_C_W,), jnp.uint32),
        pltpu.VMEM((_C_W,), jnp.uint32),
        pltpu.VMEM((_C_W,), jnp.uint32),
        pltpu.VMEM((_C_W,), jnp.uint32),
        pltpu.VMEM((_I_W,), jnp.uint32),
        pltpu.SemaphoreType.DMA,
        pltpu.SemaphoreType.DMA,
    ),
)
def _sc_update(pos_hbm, seq_hbm, lo_hbm, hi_hbm, idx_hbm, olo_hbm, ohi_hbm,
               pv, lo_v, hi_v, olo_v, ohi_v, idx_v, in_sem, out_sem):
    wid = lax.axis_index("s") * 2 + lax.axis_index("c")
    base = wid * _C_W

    lo_dma = pltpu.async_copy(lo_hbm.at[pl.ds(base, _C_W)], lo_v, in_sem)
    hi_dma = pltpu.async_copy(hi_hbm.at[pl.ds(base, _C_W)], hi_v, in_sem)
    pltpu.sync_copy(pos_hbm, pv.at[pl.ds(0, 1)])
    pltpu.sync_copy(seq_hbm, pv.at[pl.ds(8, 1)])

    par = pv[pl.ds(0, _L)]
    sp = par[0]
    se = sp + par[8] - jnp.uint32(_SEQ)
    lane = lax.iota(jnp.uint32, _L)
    neg1 = jnp.full((_L,), 0xFFFFFFFF, jnp.uint32)
    mask = jnp.uint32(_CACHE - 1)

    ibase = wid * _I_W
    ik = se + jnp.uint32(ibase) + lane

    @plsc.parallel_loop(jnp.int32(0), jnp.int32(_I_W // _L), jnp.int32(1), unroll=4)
    def ibody(j):
        s = j * _L
        idx_v[pl.ds(s, _L)] = (ik + s.astype(jnp.uint32)) & mask

    idx_dma = pltpu.async_copy(idx_v, idx_hbm.at[pl.ds(ibase, _I_W)], out_sem)

    p0 = jnp.uint32(base) + lane
    lo_dma.wait()
    hi_dma.wait()

    @plsc.parallel_loop(jnp.int32(0), jnp.int32(_C_W // _L), jnp.int32(1), unroll=8)
    def body(j):
        s = j * _L
        p = p0 + s.astype(jnp.uint32)
        d = (p - se) & mask
        v = se + d
        win = d < _SEQ
        keep = p < sp
        olo_v[pl.ds(s, _L)] = jnp.where(
            win, v, jnp.where(keep, lo_v[pl.ds(s, _L)], neg1))
        ohi_v[pl.ds(s, _L)] = jnp.where(
            win, jnp.uint32(0) - (v >> 31),
            jnp.where(keep, hi_v[pl.ds(s, _L)], neg1))

    olo_dma = pltpu.async_copy(olo_v, olo_hbm.at[pl.ds(base, _C_W)], out_sem)
    ohi_dma = pltpu.async_copy(ohi_v, ohi_hbm.at[pl.ds(base, _C_W)], out_sem)
    idx_dma.wait()
    olo_dma.wait()
    ohi_dma.wait()


def kernel(input_pos, seq_len, cache_positions):
    pos_lo = input_pos.astype(jnp.uint32)
    seq_lo = jnp.asarray(seq_len, jnp.int64).astype(jnp.uint32).reshape(1)
    lo = cache_positions.astype(jnp.uint32)
    hi = lax.shift_right_logical(cache_positions, 32).astype(jnp.uint32)
    idx_lo, olo, ohi = _sc_update(pos_lo, seq_lo, lo, hi)
    indices = idx_lo.astype(jnp.int64)
    new_cache = (ohi.astype(jnp.int64) << 32) | olo.astype(jnp.int64)
    return indices, new_cache

# --- scband reference (transcript-rebuilt; emitter-appended) ---
"""Pipeline reference for scband-cache-positions-manager-with-sink-59742995087423 (READ-ONLY COPY).

The authoritative reference and input builder live on the scoring server;
editing this copy changes nothing except your own understanding.
"""

import jax, jax.numpy as jnp
import numpy as np
jax.config.update("jax_enable_x64", True)

CACHE_SIZE = 32768
SEQ_LEN = 2048

def setup_inputs(seed: int = 0) -> dict:
    key = jax.random.key(seed)
    input_pos = jax.random.randint(key, (1,), 0, 16384, dtype=jnp.int64)
    # module state buffer: cache_positions, initialized to zeros like the torch register_buffer
    cache_positions = jnp.zeros((CACHE_SIZE,), dtype=jnp.int64)
    return {"input_pos": input_pos, "seq_len": SEQ_LEN, "cache_positions": cache_positions}

def reference(input_pos, seq_len, cache_positions):
    # Faithful translation of calculate_positions_and_update_indices.
    start_pos = input_pos[0]
    orig_indices = jnp.arange(SEQ_LEN, dtype=jnp.int64) + (seq_len - SEQ_LEN) + start_pos
    indices = orig_indices % CACHE_SIZE
    full_t = jnp.full((CACHE_SIZE,), -1, dtype=jnp.int64)
    arange_tensor = jnp.arange(CACHE_SIZE, dtype=jnp.int64)
    masked = jnp.where(arange_tensor < start_pos, cache_positions, full_t)
    # index_copy_: scatter-overwrite orig_indices into masked at positions `indices`
    new_cache_positions = masked.at[indices].set(orig_indices)
    # torch forward returns indices; we also return the updated buffer state
    return indices, new_cache_positions

if __name__ == "__main__":
    import jax
    _d = setup_inputs()
    print(jax.jit(kernel)(*tuple(_d.values())))

</pallas_src>

<mosaic_0001>
#map = affine_map<(d0, d1) -> (0)>
module attributes {stable_mosaic.version = 14 : i64} {
  func.func @_sc_update(%arg0: i32, %arg1: i32, %arg2: memref<1xi32, #tpu.memory_space<hbm>>, %arg3: memref<1xi32, #tpu.memory_space<hbm>>, %arg4: memref<32768xi32, #tpu.memory_space<hbm>>, %arg5: memref<32768xi32, #tpu.memory_space<hbm>>, %arg6: memref<2048xi32, #tpu.memory_space<hbm>>, %arg7: memref<32768xi32, #tpu.memory_space<hbm>>, %arg8: memref<32768xi32, #tpu.memory_space<hbm>>, %arg9: memref<16xi32, #tpu.memory_space<vmem>>, %arg10: memref<1024xi32, #tpu.memory_space<vmem>>, %arg11: memref<1024xi32, #tpu.memory_space<vmem>>, %arg12: memref<1024xi32, #tpu.memory_space<vmem>>, %arg13: memref<1024xi32, #tpu.memory_space<vmem>>, %arg14: memref<64xi32, #tpu.memory_space<vmem>>, %arg15: memref<!tpu.dma_semaphore, #tpu.memory_space<semaphore_mem>>, %arg16: memref<!tpu.dma_semaphore, #tpu.memory_space<semaphore_mem>>) attributes {dimension_semantics = [#tpu.dimension_semantics<core_parallel>, #tpu.dimension_semantics<subcore_parallel>], iteration_bounds = array<i64: 2, 16>, scalar_prefetch = 0 : i64, scratch_operands = 8 : i64, tpu.core_type = #tpu.core_type<sc_vector_subcore>, window_params = [{transform_indices = #map}, {transform_indices = #map}, {transform_indices = #map}, {transform_indices = #map}, {transform_indices = #map}, {transform_indices = #map}, {transform_indices = #map}]} {
    %mul3A = arith.constant 2 : i32
    %mul3A_0 = arith.muli %arg1, %mul3A : i32
    %add3A = arith.addi %mul3A_0, %arg0 : i32
    %mul3A_1 = arith.constant 1024 : i32
    %mul3A_2 = arith.muli %add3A, %mul3A_1 : i32
    %dma_start3A = tpu.memref_slice %arg4[%mul3A_2] : memref<32768xi32, #tpu.memory_space<hbm>> -> memref<1024xi32, #tpu.memory_space<hbm>>
    %dma_start3A_3 = tpu.memref_slice %arg4[%mul3A_2] : memref<32768xi32, #tpu.memory_space<hbm>> -> memref<1024xi32, #tpu.memory_space<hbm>>
    tpu.enqueue_dma source(%dma_start3A_3 : memref<1024xi32, #tpu.memory_space<hbm>>) target(%arg10 : memref<1024xi32, #tpu.memory_space<vmem>>) target_semaphore(%arg15 : memref<!tpu.dma_semaphore, #tpu.memory_space<semaphore_mem>>)
    %dma_start3A_4 = tpu.memref_slice %arg5[%mul3A_2] : memref<32768xi32, #tpu.memory_space<hbm>> -> memref<1024xi32, #tpu.memory_space<hbm>>
    %dma_start3A_5 = tpu.memref_slice %arg5[%mul3A_2] : memref<32768xi32, #tpu.memory_space<hbm>> -> memref<1024xi32, #tpu.memory_space<hbm>>
    tpu.enqueue_dma source(%dma_start3A_5 : memref<1024xi32, #tpu.memory_space<hbm>>) target(%arg11 : memref<1024xi32, #tpu.memory_space<vmem>>) target_semaphore(%arg15 : memref<!tpu.dma_semaphore, #tpu.memory_space<semaphore_mem>>)
    "tpu.region"() ({
      %run_scoped3A = tpu.sem_alloc : memref<!tpu.dma_semaphore, #tpu.memory_space<semaphore_mem>>
      %dma_start3A_42 = arith.constant 0 : i32
      %dma_start3A_43 = tpu.memref_slice %arg9[%dma_start3A_42] : memref<16xi32, #tpu.memory_space<vmem>> -> memref<1xi32, #tpu.memory_space<vmem>>
      %dma_start3A_44 = arith.constant 0 : i32
      %dma_start3A_45 = tpu.memref_slice %arg9[%dma_start3A_44] : memref<16xi32, #tpu.memory_space<vmem>> -> memref<1xi32, #tpu.memory_space<vmem>>
      tpu.enqueue_dma source(%arg2 : memref<1xi32, #tpu.memory_space<hbm>>) target(%dma_start3A_45 : memref<1xi32, #tpu.memory_space<vmem>>) target_semaphore(%run_scoped3A : memref<!tpu.dma_semaphore, #tpu.memory_space<semaphore_mem>>)
      %dma_wait3A_46 = arith.constant 0 : i32
      %dma_wait3A_47 = tpu.memref_slice %arg9[%dma_wait3A_46] : memref<16xi32, #tpu.memory_space<vmem>> -> memref<1xi32, #tpu.memory_space<vmem>>
      %dma_wait3A_48 = arith.constant 0 : i32
      %dma_wait3A_49 = tpu.memref_slice %arg9[%dma_wait3A_48] : memref<16xi32, #tpu.memory_space<vmem>> -> memref<1xi32, #tpu.memory_space<vmem>>
      tpu.wait_dma2 semaphore(%run_scoped3A : memref<!tpu.dma_semaphore, #tpu.memory_space<semaphore_mem>>) src(%arg2 : memref<1xi32, #tpu.memory_space<hbm>>) dst(%dma_wait3A_49 : memref<1xi32, #tpu.memory_space<vmem>>)
      tpu.yield
    }) : () -> ()
    "tpu.region"() ({
      %run_scoped3A = tpu.sem_alloc : memref<!tpu.dma_semaphore, #tpu.memory_space<semaphore_mem>>
      %dma_start3A_42 = arith.constant 8 : i32
      %dma_start3A_43 = tpu.memref_slice %arg9[%dma_start3A_42] : memref<16xi32, #tpu.memory_space<vmem>> -> memref<1xi32, #tpu.memory_space<vmem>>
      %dma_start3A_44 = arith.constant 8 : i32
      %dma_start3A_45 = tpu.memref_slice %arg9[%dma_start3A_44] : memref<16xi32, #tpu.memory_space<vmem>> -> memref<1xi32, #tpu.memory_space<vmem>>
      tpu.enqueue_dma source(%arg3 : memref<1xi32, #tpu.memory_space<hbm>>) target(%dma_start3A_45 : memref<1xi32, #tpu.memory_space<vmem>>) target_semaphore(%run_scoped3A : memref<!tpu.dma_semaphore, #tpu.memory_space<semaphore_mem>>)
      %dma_wait3A_46 = arith.constant 8 : i32
      %dma_wait3A_47 = tpu.memref_slice %arg9[%dma_wait3A_46] : memref<16xi32, #tpu.memory_space<vmem>> -> memref<1xi32, #tpu.memory_space<vmem>>
      %dma_wait3A_48 = arith.constant 8 : i32
      %dma_wait3A_49 = tpu.memref_slice %arg9[%dma_wait3A_48] : memref<16xi32, #tpu.memory_space<vmem>> -> memref<1xi32, #tpu.memory_space<vmem>>
      tpu.wait_dma2 semaphore(%run_scoped3A : memref<!tpu.dma_semaphore, #tpu.memory_space<semaphore_mem>>) src(%arg3 : memref<1xi32, #tpu.memory_space<hbm>>) dst(%dma_wait3A_49 : memref<1xi32, #tpu.memory_space<vmem>>)
      tpu.yield
    }) : () -> ()
    %get3A = arith.constant 0 : index
    %get3A_6 = tpu.vector_load %arg9[%get3A] {strides = array<i32>} : memref<16xi32, #tpu.memory_space<vmem>>, vector<16xi32>,
    %get3A_7 = vector.shape_cast %get3A_6 : vector<16xi32> to vector<16xi32>
    %slice3A = vector.extract_strided_slice %get3A_7 {offsets = [0], sizes = [1], strides = [1]} : vector<16xi32> to vector<1xi32>
    %squeeze3A = vector.extract %slice3A[0] : i32 from vector<1xi32>
    %slice3A_8 = vector.extract_strided_slice %get3A_7 {offsets = [8], sizes = [1], strides = [1]} : vector<16xi32> to vector<1xi32>
    %squeeze3A_9 = vector.extract %slice3A_8[0] : i32 from vector<1xi32>
    %add3A_10 = arith.addi %squeeze3A, %squeeze3A_9 : i32
    %sub3A = arith.constant 2048 : i32
    %sub3A_11 = arith.subi %add3A_10, %sub3A : i32
    %iota3A = tpu.iota {dimensions = array<i32: 0>} : vector<16xi32>
    %broadcast_in_dim3A = arith.constant -1 : i32
    %broadcast_in_dim3A_12 = vector.broadcast %broadcast_in_dim3A : i32 to vector<16xi32>
    %mul3A_13 = arith.constant 64 : i32
    %mul3A_14 = arith.muli %add3A, %mul3A_13 : i32
    %add3A_15 = arith.addi %sub3A_11, %mul3A_14 : i32
    %add3A_16 = vector.broadcast %add3A_15 : i32 to vector<16xi32>
    %add3A_17 = arith.addi %add3A_16, %iota3A : vector<16xi32>
    %parallel_loop3A = arith.constant 0 : i32
    %parallel_loop3A_18 = arith.constant 4 : i32
    %parallel_loop3A_19 = arith.constant 1 : i32
    %parallel_loop3A_20 = arith.constant 32767 : i32
    scf.for %parallel_loop3A_42 = %parallel_loop3A to %parallel_loop3A_18 step %parallel_loop3A_19  : i32 {
      %parallel_loop3A_43 = arith.constant 16 : i32
      %parallel_loop3A_44 = arith.muli %parallel_loop3A_42, %parallel_loop3A_43 : i32
      %parallel_loop3A_45 = vector.broadcast %parallel_loop3A_44 : i32 to vector<16xi32>
      %parallel_loop3A_46 = arith.addi %add3A_17, %parallel_loop3A_45 : vector<16xi32>
      %parallel_loop3A_47 = vector.broadcast %parallel_loop3A_20 : i32 to vector<16xi32>
      %parallel_loop3A_48 = arith.andi %parallel_loop3A_46, %parallel_loop3A_47 : vector<16xi32>
      %parallel_loop3A_49 = arith.index_cast %parallel_loop3A_44 : i32 to index
      %parallel_loop3A_50 = tpu.vector_load %arg14[%parallel_loop3A_49] {strides = array<i32>} : memref<64xi32, #tpu.memory_space<vmem>>, vector<16xi32>,
      %parallel_loop3A_51 = vector.shape_cast %parallel_loop3A_50 : vector<16xi32> to vector<16xi32>
      %parallel_loop3A_52 = vector.shape_cast %parallel_loop3A_48 : vector<16xi32> to vector<16xi32>
      tpu.vector_store %arg14[%parallel_loop3A_49], %parallel_loop3A_52 {strides = array<i32>} : memref<64xi32, #tpu.memory_space<vmem>>, vector<16xi32>,
    } {sc.loop_unroll_factor = 4 : i64, sc.parallel_access}
    %dma_start3A_21 = tpu.memref_slice %arg6[%mul3A_14] : memref<2048xi32, #tpu.memory_space<hbm>> -> memref<64xi32, #tpu.memory_space<hbm>>
    %dma_start3A_22 = tpu.memref_slice %arg6[%mul3A_14] : memref<2048xi32, #tpu.memory_space<hbm>> -> memref<64xi32, #tpu.memory_space<hbm>>
    tpu.enqueue_dma source(%arg14 : memref<64xi32, #tpu.memory_space<vmem>>) target(%dma_start3A_22 : memref<64xi32, #tpu.memory_space<hbm>>) target_semaphore(%arg16 : memref<!tpu.dma_semaphore, #tpu.memory_space<semaphore_mem>>)
    %add3A_23 = vector.broadcast %mul3A_2 : i32 to vector<16xi32>
    %add3A_24 = arith.addi %add3A_23, %iota3A : vector<16xi32>
    %dma_wait3A = tpu.memref_slice %arg4[%mul3A_2] : memref<32768xi32, #tpu.memory_space<hbm>> -> memref<1024xi32, #tpu.memory_space<hbm>>
    %dma_wait3A_25 = tpu.memref_slice %arg4[%mul3A_2] : memref<32768xi32, #tpu.memory_space<hbm>> -> memref<1024xi32, #tpu.memory_space<hbm>>
    tpu.wait_dma2 semaphore(%arg15 : memref<!tpu.dma_semaphore, #tpu.memory_space<semaphore_mem>>) src(%dma_wait3A_25 : memref<1024xi32, #tpu.memory_space<hbm>>) dst(%arg10 : memref<1024xi32, #tpu.memory_space<vmem>>)
    %dma_wait3A_26 = tpu.memref_slice %arg5[%mul3A_2] : memref<32768xi32, #tpu.memory_space<hbm>> -> memref<1024xi32, #tpu.memory_space<hbm>>
    %dma_wait3A_27 = tpu.memref_slice %arg5[%mul3A_2] : memref<32768xi32, #tpu.memory_space<hbm>> -> memref<1024xi32, #tpu.memory_space<hbm>>
    tpu.wait_dma2 semaphore(%arg15 : memref<!tpu.dma_semaphore, #tpu.memory_space<semaphore_mem>>) src(%dma_wait3A_27 : memref<1024xi32, #tpu.memory_space<hbm>>) dst(%arg11 : memref<1024xi32, #tpu.memory_space<vmem>>)
    %parallel_loop3A_28 = arith.constant 0 : i32
    %parallel_loop3A_29 = arith.constant 64 : i32
    %parallel_loop3A_30 = arith.constant 1 : i32
    %parallel_loop3A_31 = arith.constant 32767 : i32
    scf.for %parallel_loop3A_42 = %parallel_loop3A_28 to %parallel_loop3A_29 step %parallel_loop3A_30  : i32 {
      %parallel_loop3A_43 = arith.constant 16 : i32
      %parallel_loop3A_44 = arith.muli %parallel_loop3A_42, %parallel_loop3A_43 : i32
      %parallel_loop3A_45 = vector.broadcast %parallel_loop3A_44 : i32 to vector<16xi32>
      %parallel_loop3A_46 = arith.addi %add3A_24, %parallel_loop3A_45 : vector<16xi32>
      %parallel_loop3A_47 = vector.broadcast %sub3A_11 : i32 to vector<16xi32>
      %parallel_loop3A_48 = arith.subi %parallel_loop3A_46, %parallel_loop3A_47 : vector<16xi32>
      %parallel_loop3A_49 = vector.broadcast %parallel_loop3A_31 : i32 to vector<16xi32>
      %parallel_loop3A_50 = arith.andi %parallel_loop3A_48, %parallel_loop3A_49 : vector<16xi32>
      %parallel_loop3A_51 = vector.broadcast %sub3A_11 : i32 to vector<16xi32>
      %parallel_loop3A_52 = arith.addi %parallel_loop3A_51, %parallel_loop3A_50 : vector<16xi32>
      %parallel_loop3A_53 = arith.constant 2048 : i32
      %parallel_loop3A_54 = vector.broadcast %parallel_loop3A_53 : i32 to vector<16xi32>
      %parallel_loop3A_55 = arith.cmpi ult, %parallel_loop3A_50, %parallel_loop3A_54 : vector<16xi32>
      %parallel_loop3A_56 = vector.broadcast %squeeze3A : i32 to vector<16xi32>
      %parallel_loop3A_57 = arith.cmpi ult, %parallel_loop3A_46, %parallel_loop3A_56 : vector<16xi32>
      %parallel_loop3A_58 = arith.index_cast %parallel_loop3A_44 : i32 to index
      %parallel_loop3A_59 = tpu.vector_load %arg10[%parallel_loop3A_58] {strides = array<i32>} : memref<1024xi32, #tpu.memory_space<vmem>>, vector<16xi32>,
      %parallel_loop3A_60 = vector.shape_cast %parallel_loop3A_59 : vector<16xi32> to vector<16xi32>
      %parallel_loop3A_61 = arith.select %parallel_loop3A_57, %parallel_loop3A_60, %broadcast_in_dim3A_12 : vector<16xi1>, vector<16xi32>
      %parallel_loop3A_62 = arith.select %parallel_loop3A_55, %parallel_loop3A_52, %parallel_loop3A_61 : vector<16xi1>, vector<16xi32>
      %parallel_loop3A_63 = arith.index_cast %parallel_loop3A_44 : i32 to index
      %parallel_loop3A_64 = tpu.vector_load %arg12[%parallel_loop3A_63] {strides = array<i32>} : memref<1024xi32, #tpu.memory_space<vmem>>, vector<16xi32>,
      %parallel_loop3A_65 = vector.shape_cast %parallel_loop3A_64 : vector<16xi32> to vector<16xi32>
      %parallel_loop3A_66 = vector.shape_cast %parallel_loop3A_62 : vector<16xi32> to vector<16xi32>
      tpu.vector_store %arg12[%parallel_loop3A_63], %parallel_loop3A_66 {strides = array<i32>} : memref<1024xi32, #tpu.memory_space<vmem>>, vector<16xi32>,
      %parallel_loop3A_67 = arith.constant 31 : i32
      %parallel_loop3A_68 = vector.broadcast %parallel_loop3A_67 : i32 to vector<16xi32>
      %parallel_loop3A_69 = arith.shrui %parallel_loop3A_52, %parallel_loop3A_68 : vector<16xi32>
      %parallel_loop3A_70 = arith.constant 0 : i32
      %parallel_loop3A_71 = vector.broadcast %parallel_loop3A_70 : i32 to vector<16xi32>
      %parallel_loop3A_72 = arith.subi %parallel_loop3A_71, %parallel_loop3A_69 : vector<16xi32>
      %parallel_loop3A_73 = arith.index_cast %parallel_loop3A_44 : i32 to index
      %parallel_loop3A_74 = tpu.vector_load %arg11[%parallel_loop3A_73] {strides = array<i32>} : memref<1024xi32, #tpu.memory_space<vmem>>, vector<16xi32>,
      %parallel_loop3A_75 = vector.shape_cast %parallel_loop3A_74 : vector<16xi32> to vector<16xi32>
      %parallel_loop3A_76 = arith.select %parallel_loop3A_57, %parallel_loop3A_75, %broadcast_in_dim3A_12 : vector<16xi1>, vector<16xi32>
      %parallel_loop3A_77 = arith.select %parallel_loop3A_55, %parallel_loop3A_72, %parallel_loop3A_76 : vector<16xi1>, vector<16xi32>
      %parallel_loop3A_78 = arith.index_cast %parallel_loop3A_44 : i32 to index
      %parallel_loop3A_79 = tpu.vector_load %arg13[%parallel_loop3A_78] {strides = array<i32>} : memref<1024xi32, #tpu.memory_space<vmem>>, vector<16xi32>,
      %parallel_loop3A_80 = vector.shape_cast %parallel_loop3A_79 : vector<16xi32> to vector<16xi32>
      %parallel_loop3A_81 = vector.shape_cast %parallel_loop3A_77 : vector<16xi32> to vector<16xi32>
      tpu.vector_store %arg13[%parallel_loop3A_78], %parallel_loop3A_81 {strides = array<i32>} : memref<1024xi32, #tpu.memory_space<vmem>>, vector<16xi32>,
    } {sc.loop_unroll_factor = 8 : i64, sc.parallel_access}
    %dma_start3A_32 = tpu.memref_slice %arg7[%mul3A_2] : memref<32768xi32, #tpu.memory_space<hbm>> -> memref<1024xi32, #tpu.memory_space<hbm>>
    %dma_start3A_33 = tpu.memref_slice %arg7[%mul3A_2] : memref<32768xi32, #tpu.memory_space<hbm>> -> memref<1024xi32, #tpu.memory_space<hbm>>
    tpu.enqueue_dma source(%arg12 : memref<1024xi32, #tpu.memory_space<vmem>>) target(%dma_start3A_33 : memref<1024xi32, #tpu.memory_space<hbm>>) target_semaphore(%arg16 : memref<!tpu.dma_semaphore, #tpu.memory_space<semaphore_mem>>)
    %dma_start3A_34 = tpu.memref_slice %arg8[%mul3A_2] : memref<32768xi32, #tpu.memory_space<hbm>> -> memref<1024xi32, #tpu.memory_space<hbm>>
    %dma_start3A_35 = tpu.memref_slice %arg8[%mul3A_2] : memref<32768xi32, #tpu.memory_space<hbm>> -> memref<1024xi32, #tpu.memory_space<hbm>>
    tpu.enqueue_dma source(%arg13 : memref<1024xi32, #tpu.memory_space<vmem>>) target(%dma_start3A_35 : memref<1024xi32, #tpu.memory_space<hbm>>) target_semaphore(%arg16 : memref<!tpu.dma_semaphore, #tpu.memory_space<semaphore_mem>>)
    %dma_wait3A_36 = tpu.memref_slice %arg6[%mul3A_14] : memref<2048xi32, #tpu.memory_space<hbm>> -> memref<64xi32, #tpu.memory_space<hbm>>
    %dma_wait3A_37 = tpu.memref_slice %arg6[%mul3A_14] : memref<2048xi32, #tpu.memory_space<hbm>> -> memref<64xi32, #tpu.memory_space<hbm>>
    tpu.wait_dma2 semaphore(%arg16 : memref<!tpu.dma_semaphore, #tpu.memory_space<semaphore_mem>>) src(%arg14 : memref<64xi32, #tpu.memory_space<vmem>>) dst(%dma_wait3A_37 : memref<64xi32, #tpu.memory_space<hbm>>)
    %dma_wait3A_38 = tpu.memref_slice %arg7[%mul3A_2] : memref<32768xi32, #tpu.memory_space<hbm>> -> memref<1024xi32, #tpu.memory_space<hbm>>
    %dma_wait3A_39 = tpu.memref_slice %arg7[%mul3A_2] : memref<32768xi32, #tpu.memory_space<hbm>> -> memref<1024xi32, #tpu.memory_space<hbm>>
    tpu.wait_dma2 semaphore(%arg16 : memref<!tpu.dma_semaphore, #tpu.memory_space<semaphore_mem>>) src(%arg12 : memref<1024xi32, #tpu.memory_space<vmem>>) dst(%dma_wait3A_39 : memref<1024xi32, #tpu.memory_space<hbm>>)
    %dma_wait3A_40 = tpu.memref_slice %arg8[%mul3A_2] : memref<32768xi32, #tpu.memory_space<hbm>> -> memref<1024xi32, #tpu.memory_space<hbm>>
    %dma_wait3A_41 = tpu.memref_slice %arg8[%mul3A_2] : memref<32768xi32, #tpu.memory_space<hbm>> -> memref<1024xi32, #tpu.memory_space<hbm>>
    tpu.wait_dma2 semaphore(%arg16 : memref<!tpu.dma_semaphore, #tpu.memory_space<semaphore_mem>>) src(%arg13 : memref<1024xi32, #tpu.memory_space<vmem>>) dst(%dma_wait3A_41 : memref<1024xi32, #tpu.memory_space<hbm>>)
    return
  }
}

</mosaic_0001>

<sc_bundles>
// kernel: kernel.3.cloned.1.call-start
scs
__scs_entry_jumppad:
0x0: {  	(pc) =	sbr.rel $0x88, $3  }
0x1: {  	(tag) =	ssettag $0x0;
	lr =	simm.s32 $0x1  }
0x2: {  	[smem:$0x3F9E] =	sst lr;
	_ =	strace $0xD0000000  }
0x3: {  	_ = 	snop  }
0x4: {  	_ = 	snop  }
0x5: {  	_ = 	snop  }
0x6: {  	_ = 	snop  }
0x7: {  	_ = 	snop  }
__scs_overlays_trampoline_lowered:
0x8: {  	[smem:$0x3FAD] =	sst s0  }
0x9: {  	[smem:$0x3FAE] =	sst s1  }
0xa: {  	[smem:$0x3FAF] =	sst s2  }
0xb: {  	[smem:$0x3FB0] =	sst s3  }
0xc: {  	[smem:$0x3FB1] =	sst s4  }
0xd: {  	[smem:$0x3FB2] =	sst s5  }
0xe: {  	[smem:$0x3FB3] =	sst s6  }
0xf: {  	[smem:$0x3FB4] =	sst s7  }
0x10: {  	[smem:$0x3FB5] =	sst s8  }
0x11: {  	[smem:$0x3FB6] =	sst s9;
	s0 =	simm.s32 @!p0 $0x0  }
0x12: {  	s1 =	sld [smem:$0x3F9C];
	s0 =	simm.s32 @p0 $0x1  }
0x13: {  	[smem:$0x3FB7] =	sst s0;
	s0 =	simm.s32 @!p1 $0x0  }
0x14: {  	s2 =	sld [smem:$0x3F9B];
	s0 =	simm.s32 @p1 $0x1  }
0x15: {  	[smem:$0x3FB8] =	sst s0;
	s0 =	simm.s32 @!p2 $0x0  }
0x16: {  	s3 =	sld [smem:$0x3FDB];
	s0 =	simm.s32 @p2 $0x1  }
0x17: {  	s4 =	simm.s32 $0x1BF5;
	[smem:$0x3FBA] =	sst s0  }
0x18: {  	s0 =	sld [smem:$0x3F9D];
	_ =	swait.ge [sflag:s4], $0x0  }
0x19: {  	s7 =	sld [smem:$0x3F9E]  }
0x1a: {  	s8 =	sadd.s32 $0xFFFFE003, lr  }
0x1b: {  	s9 =	sadd.s32 $0xFFFFFEF7, lr;
	s5 =	simm.s32 $0xFFFFFFFF;
	p2 =	slt.u32 s8, $0xFFFFF086  }
0x1c: {  	p1 =	slt.u32 s9, $0xF7A;
	s5 =	simm.s32 @!p2 $0x0  }
0x1d: {  	s5 =	simm.s32 @p1 $0x1;
	p0 =	seq.s32 s7, s2  }
0x1e: {  	s7 =	smul.u32 @!p0 $0xF7A, s2;
	p2 =	seq.s32 @!p0 s5, $0x0  }
0x1f: {  	s9 =	smul.u32 $0xF7A, s1;
	s8 =	simm.s32 @!p0 $0x1BF5;
	p2 =	por !p2, p0  }
0x20: {  	[sflag:s8] =	ssyncset.s32 @!p0 $0xFFFFF086;
	s6 =	sadd.s32 @!p0 s3, s7;
	s7 =	simm.s32 @!p0 $0x108  }
0x21: {  	s3 =	sadd.s32 s3, s9;
	s6 =	sadd.s32 @!p0 $0x88, s6;
	s7 =	simm.s32 @p2 $0x1082  }
0x22: {  	[simem:s7], [sflag:s8] =	dma.local @!p0 [hbm:s6], $0xF7A  }
0x23: {  	s9 =	sor.u32 $0xD0000000, s2;
	s6 =	simm.s32 $0x108;
	_ =	swait.ge @!p0 [sflag:s8], $0x0  }
0x24: {  	s3 =	sadd.s32 $0x88, s3;
	s6 =	simm.s32 @!p1 $0x1082;
	[sflag:s4] =	ssyncset.s32 $0xFFFFF086  }
0x25: {  	[simem:s6], [sflag:s4] =	dma.local [hbm:s3], $0xF7A  }
0x26: {  	[smem:$0x3F9E] =	sst s1;
	(tag) =	ssettag s2;
	_ =	strace s9  }
0x27: {  	s1 =	sld [smem:$0x3FAE]  }
0x28: {  	s2 =	sld [smem:$0x3FAF]  }
0x29: {  	s4 =	sld [smem:$0x3FB1]  }
0x2a: {  	p0 =	seq.s32 s5, $0x0;
	s5 =	sld [smem:$0x3FB2]  }
0x2b: {  	s6 =	sld [smem:$0x3FB3]  }
0x2c: {  	s7 =	sld [smem:$0x3FB4]  }
0x2d: {  	s3 =	simm.s32 $0x108;
	s8 =	sld [smem:$0x3FB5]  }
0x2e: {  	s3 =	simm.s32 @!p0 $0x1082;
	s9 =	sld [smem:$0x3FB6]  }
0x2f: {  	lr =	sadd.s32 s0, s3;
	s0 =	sld [smem:$0x3FAD]  }
0x30: {  	s3 =	sld [smem:$0x3FB0]  }
0x31: {  	[smem:$0x3FB9] =	sst s10  }
0x32: {  	s10 =	sld [smem:$0x3FB7];
	_ =	sdelay $0x3  }
0x33: {  	p0 =	seq.s32 s10, $0x1;
	s10 =	sld [smem:$0x3FB9];
	_ =	sdelay $0x3  }
0x34: {  	[smem:$0x3FB9] =	sst s10  }
0x35: {  	s10 =	sld [smem:$0x3FB8];
	_ =	sdelay $0x3  }
0x36: {  	p1 =	seq.s32 s10, $0x1;
	s10 =	sld [smem:$0x3FB9];
	_ =	sdelay $0x3  }
0x37: {  	[smem:$0x3FB9] =	sst s10  }
0x38: {  	s10 =	sld [smem:$0x3FBA]  }
0x39: {  	_ = 	snop;
	(pc) =	sbr.ind lr, $3  }
0x3a: {  	_ = 	snop  }
0x3b: {  	_ = 	snop  }
0x3c: {  	p2 =	seq.s32 s10, $0x1;
	s10 =	sld [smem:$0x3FB9]  }
0x3d: {  	_ =	shalt  }
0x3e: {  	_ =	shalt  }
0x3f: {  	_ =	shalt  }
0x40: {  	_ =	shalt  }
0x41: {  	_ =	shalt  }
0x42: {  	_ =	shalt  }
0x43: {  	_ =	shalt  }
0x44: {  	_ =	shalt  }
0x45: {  	_ =	shalt  }
0x46: {  	_ =	shalt  }
0x47: {  	_ =	shalt  }
0x48: {  	_ =	shalt  }
0x49: {  	_ =	shalt  }
0x4a: {  	_ =	shalt  }
0x4b: {  	_ =	shalt  }
0x4c: {  	_ =	shalt  }
0x4d: {  	_ =	shalt  }
0x4e: {  	_ =	shalt  }
0x4f: {  	_ =	shalt  }
0x50: {  	_ =	shalt  }
0x51: {  	_ =	shalt  }
0x52: {  	_ =	shalt  }
0x53: {  	_ =	shalt  }
0x54: {  	_ =	shalt  }
0x55: {  	_ =	shalt  }
0x56: {  	_ =	shalt  }
0x57: {  	_ =	shalt  }
0x58: {  	_ =	shalt  }
0x59: {  	_ =	shalt  }
0x5a: {  	_ =	shalt  }
0x5b: {  	_ =	shalt  }
0x5c: {  	_ =	shalt  }
0x5d: {  	_ =	shalt  }
0x5e: {  	_ =	shalt  }
0x5f: {  	_ =	shalt  }
0x60: {  	_ =	shalt  }
0x61: {  	_ =	shalt  }
0x62: {  	_ =	shalt  }
0x63: {  	_ =	shalt  }
0x64: {  	_ =	shalt  }
0x65: {  	_ =	shalt  }
0x66: {  	_ =	shalt  }
0x67: {  	_ =	shalt  }
0x68: {  	_ =	shalt  }
0x69: {  	_ =	shalt  }
0x6a: {  	_ =	shalt  }
0x6b: {  	_ =	shalt  }
0x6c: {  	_ =	shalt  }
0x6d: {  	_ =	shalt  }
0x6e: {  	_ =	shalt  }
0x6f: {  	_ =	shalt  }
0x70: {  	_ =	shalt  }
0x71: {  	_ =	shalt  }
0x72: {  	_ =	shalt  }
0x73: {  	_ =	shalt  }
0x74: {  	_ =	shalt  }
0x75: {  	_ =	shalt  }
0x76: {  	_ =	shalt  }
0x77: {  	_ =	shalt  }
0x78: {  	_ =	shalt  }
0x79: {  	_ =	shalt  }
0x7a: {  	_ =	shalt  }
0x7b: {  	_ =	shalt  }
0x7c: {  	_ =	shalt  }
0x7d: {  	_ =	shalt  }
0x7e: {  	_ =	shalt  }
0x7f: {  	_ =	shalt  }
0x80: {  	_ =	shalt  }
0x81: {  	_ =	shalt  }
0x82: {  	_ =	shalt  }
0x83: {  	_ =	shalt  }
0x84: {  	_ =	shalt  }
0x85: {  	_ =	shalt  }
0x86: {  	_ =	shalt  }
0x87: {  	_ =	shalt  }
.Lfunc_end0:
.L_simem_size_0:
called_computation_lowered:
.L_overlay_start_0:
0x88: {  	s2 =	sld [smem:$0x3FD9]  }
0x89: {  	s3 =	sld [smem:$0x3FFE];
	_ =	sdelay $0x1  }
0x8a: {  	s1 =	srdreg.scid  }
0x8b: {  	s0 =	sand.u32 $0x1, s1  }
0x8c: {  	s14 =	sshll.u32 s0, $0xA;
	s2 =	sadd.s32 s3, s2  }
0x8d: {  	s2 =	sadd.s32 s2, s14  }
0x8e: {  	[smem:$0x3FC5] =	sst s2  }
0x8f: {  	_ = 	snop  }
0x90: {  	s2 =	sld [smem:$0x3FD0];
	_ =	sdelay $0x2  }
0x91: {  	s15 =	simm.s32 $0xA;
	s4 =	simm.s32 $0x10  }
0x92: {  	[smem:s4], [sflag:s15] =	dma.local [hbm:s2], $0x1  }
0x93: {  	_ =	swait.eq [sflag:s15], $0x1  }
0x94: {  	[sflag:s15] =	ssyncset.done $0x0  }
0x95: {  	s16 =	sld [smem:$0x10];
	[sflag:s15] =	ssyncadd.s32 $0xFFFFFFFF  }
0x96: {  	s17 =	sld [smem:$0x11];
	(tm) =	ssettm $0x1  }
0x97: {  	s18 =	sld [smem:$0x3FFB];
	_ =	sdelay $0x3  }
0x98: {  	_ =	strace s18  }
0x99: {  	s4 =	sld [smem:$0x3FFC];
	_ =	sdelay $0x3  }
0x9a: {  	_ =	strace s4  }
0x9b: {  	s4 =	sld [smem:$0x3FFD];
	_ =	sdelay $0x3  }
0x9c: {  	_ =	strace s4  }
0x9d: {  	_ =	strace $0x8FFFFFFF  }
0x9e: {  	s19 =	sld [smem:$0x3FDB];
	_ =	sdelay $0x1  }
0x9f: {  	s5 =	simm.s32 $_scs_section_size  }
0xa0: {  	s6 =	simm.s32 $_size__tile_overlayer_lowered;
	s7 =	simm.s32 $_tile_overlayer_lowered  }
0xa1: {  	s22 =	simm.s32 $0x1BFF;
	s21 =	sshll.u32 s7, $0x1;
	s4 =	sadd.s32 s5, s19  }
0xa2: {  	s8 =	simm.s32 $0x0;
	s20 =	sshll.u32 s6, $0x1;
	s6 =	sadd.s32 s21, s4  }
0xa3: {  	[timem:s8], [sflag:s22] =	dma.local [hbm:s6], s20  }
0xa4: {  	_ =	swait.ge [sflag:s22], s20  }
0xa5: {  	s5 =	ssub.s32 $0x0, s20;
	[sflag:s22] =	ssyncset.done $0x0  }
0xa6: {  	[sflag:s22] =	ssyncadd.s32 s5;
	_ =	sdelay $0x1  }
0xa7: {  	s23 =	simm.s32 $0x1B8B  }
0xa8: {  	_ =	swait.ge [sflag:s23], $0x1  }
0xa9: {  	[sflag:s23] =	ssyncset.done $0x0  }
0xaa: {  	s25 =	simm.s32 $0x1B8E;
	s24 =	sld [smem:$0x3FFE];
	[sflag:s23] =	ssyncadd.s32 $0xFFFFFFFF  }
0xab: {  	s26 =	simm.s32 $execute0_lowered;
	[smem:$0x3FD2] =	sst s25  }
0xac: {  	s6 =	sshll.u32 s26, $0x1;
	_ =	strace $0x80000046;
	[dreg:$0x1] =	wrdreg $0xFFFFFFFF  }
0xad: {  	s28 =	simm.s32 $_size_execute0_lowered;
	s4 =	sadd.s32 s4, s6;
	[dreg:$0x0] =	wrdreg $0x0  }
0xae: {  	s6 =	sshll.u32 s28, $0x1;
	[dreg:$0x2] =	wrdreg s4  }
0xaf: {  	[dreg:$0x3] =	wrdreg s6  }
0xb0: {  	[dreg:$0x4] =	wrdreg $0xC0  }
0xb1: {  	_ =	task [dreg:s8], $0x5FFFF  }
0xb2: {  	[dreg:$0x1] =	wrdreg $0xFFFFFFFF  }
0xb3: {  	[dreg:$0x0] =	wrdreg $0x60  }
0xb4: {  	[dreg:$0x2] =	wrdreg s16  }
0xb5: {  	[dreg:$0x3] =	wrdreg s24  }
0xb6: {  	[dreg:$0x4] =	wrdreg s17  }
0xb7: {  	[dreg:$0x5] =	wrdreg $0x9  }
0xb8: {  	_ =	task.clear_ibuf [dreg:s8], $0x6FFFF;
	_ =	strace $0x90000046  }
0xb9: {  	s29 =	simm.s32 $0x9;
	_ =	strace $0x80000048  }
0xba: {  	_ =	swait.ge [sflag:s29], $0x1  }
0xbb: {  	[sflag:s29] =	ssyncadd.s32 $0xFFFFFFFF  }
0xbc: {  	_ =	strace $0x90000048  }
0xbd: {  	_ =	sfence  }
0xbe: {  	s30 =	sld [smem:$0x0];
	_ =	sdelay $0x2  }
0xbf: {  	s31 =	sshll.u32 s1, $0xD;
	s1 =	sshrl.u32 s1, $0x2  }
0xc0: {  	s3 =	sand.u32 $0x4000, s31;
	s1 =	sadd.s32 s1, s30  }
0xc1: {  	s0 =	sor.u32 s3, s0;
	s1 =	sshll.u32 s1, $0x11  }
0xc2: {  	s0 =	sor.u32 s1, s0  }
0xc3: {  	s0 =	sadd.s32 $0x8F2B, s0  }
0xc4: {  	[sflag:s0] =	ssyncadd.remote.s32 $0x1  }
0xc5: {  	_ =	sfence.sel $0xFFFF  }
0xc6: {  	[dreg:$0x0] =	wrdreg $0xFFFFFFFF;
	(pc) =	sbr.abs _section_cstart, $3  }
0xc7: {  	[dreg:$0x1] =	wrdreg $0xFFFFFFFF  }
0xc8: {  	_ =	task.clear_ibuf [dreg:s8], $0x2FFFF;
	_ =	strace $0x9FFFFFFF  }
0xc9: {  	(tm) =	ssettm $0x7FFFFFFF  }
tec
execute0_lowered:
.L_overlay_start_1:
0x0: {  	(tag) =	ssettag $0x1  }
0x1: {  	s0 =	rddreg [dreg:$0x1]  }
0x2: {  	s5 =	rddreg [dreg:$0x2];
	s3 =	simm.s32 $0x0;
	s4 =	srdreg.scid  }
0x3: {  	s1 =	stileid.u32;
	s14 =	simm.s32 $0x3;
	s15 =	simm.s32 $0x8  }
0x4: {  	s17 =	simm.s32 $0x1;
	s18 =	simm.s32 $0x880;
	s19 =	simm.s32 $0xC80  }
0x5: {  	s20 =	simm.s32 $0x2;
	s21 =	simm.s32 $0x0;
	[smem:$0x7FF] =	sst s3  }
0x6: {  	s6 =	sand.u32 $0x1, s4;
	s7 =	sshll.u32 s1, $0x1;
	s4 =	sadd.s32 $0x1A00, s0  }
0x7: {  	_ =	strace $0x80000047;
	s7 =	sor.u32 s6, s7;
	s6 =	ssub.s32 $0x2, s6  }
0x8: {  	s8 =	sshll.u32 s7, $0x3;
	s9 =	sshll.u32 s7, $0x7;
	s10 =	sshrl.u32 s6, $0x1  }
0x9: {  	s16 =	sshll.u32 s7, $0xA;
	s7 =	sshll.u32 s7, $0x6;
	s8 =	sadd.s32 s8, s0  }
0xa: {  	v0 =	vlaneseq.u32;
	s0 =	sadd.s32 s9, s0;
	s11 =	ssub.s32 s6, s10;
	s5 =	sadd.s32 s5, s9  }
0xb: {  	v1 =	vor.u32 s16, v0;
	s16 =	simm.s32 $0x1080;
	s6 =	sadd.s32 $0xA00, s0;
	s8 =	sadd.s32 $0x3C00, s8  }
0xc: {  	v2 =	vor.u32 $0x10, v0;
	v3 =	vor.u32 $0x20, v0;
	v4 =	vor.u32 $0x30, v0;
	s9 =	sadd.s32 $0x1C00, s0;
	s10 =	sadd.s32 $0x2C00, s0;
	s11 =	smax.u32 s11, $0x1  }
.LBB2_1:
0xd: {  	s0 =	simm.s32 $0x80  }
0xe: {  	[tilespmem:s0], [sflag:$0x1] =	stream.linear.gather [hbm4b:s5+s3], $0x400, $0x38;
	[tilespmem:$0x1100] =	vst v63  }
0xf: {  	s23 =	simm.s32 $0x480  }
0x10: {  	[tilespmem:s23], [sflag:$0x1] =	stream.linear.gather [hbm4b:s6+s3], $0x400, $0x38;
	[tilespmem:$0x1100] =	vst v63  }
0x11: {  	s24 =	rddreg [dreg:$0x0]  }
0x12: {  	[tilespmem:s3], [sflag:$0x3] =	stream.linear.gather [hbm4b:s24+s3], $0x1, $0x38;
	[tilespmem:$0x1100] =	vst v63  }
0x13: {  	_ =	swait.ge [sflag:s14], $0x1  }
0x14: {  	[sflag:s14] =	ssyncset.done $0x0  }
0x15: {  	[sflag:s14] =	ssyncadd.s32 $0xFFFFFFFF  }
0x16: {  	[tilespmem:s15], [sflag:$0x3] =	stream.linear.gather [hbm4b:s4+s3], $0x1, $0x38;
	[tilespmem:$0x1100] =	vst v63  }
0x17: {  	_ =	swait.ge [sflag:s14], $0x1  }
0x18: {  	[sflag:s14] =	ssyncset.done $0x0  }
0x19: {  	[sflag:s14] =	ssyncadd.s32 $0xFFFFFFFF  }
0x1a: {  	v6 =	vld [tilespmem:$0x0];
	_ =	sdelay $0x4  }
0x1b: {  	(v2sf) =	vpush v6, $0x0  }
0x1c: {  	(v2sf) =	vpush v6, $0x8;
	_ =	sdelay $0xd  }
0x1d: {  	s25 =	spop (v2sf)  }
0x1e: {  	s22 =	spop (v2sf)  }
0x1f: {  	s0 =	sadd.s32 s25, s22  }
0x20: {  	s0 =	sadd.s32 $0xFFFFF800, s0  }
0x21: {  	s26 =	sadd.s32 s7, s0  }
0x22: {  	v5 =	vadd.s32 s26, v0  }
0x23: {  	v7 =	vadd.s32 s26, v2;
	v5 =	vand.u32 $0x7FFF, v5  }
0x24: {  	[tilespmem:$0x1080] =	vst v5;
	v5 =	vand.u32 $0x7FFF, v7;
	v7 =	vadd.s32 s26, v3  }
0x25: {  	[tilespmem:$0x1090] =	vst v5;
	v5 =	vand.u32 $0x7FFF, v7;
	v7 =	vadd.s32 s26, v4  }
0x26: {  	[tilespmem:$0x10A0] =	vst v5;
	v5 =	vand.u32 $0x7FFF, v7  }
0x27: {  	[tilespmem:$0x10B0] =	vst v5  }
0x28: {  	[hbm4b:s8+s3] =	stream.linear.scatter [tilespmem:s16], [sflag:$0x2], $0x40, $0x38;
	[tilespmem:$0x1100] =	vst v63  }
0x29: {  	_ =	swait.ge [sflag:s17], $0x400  }
0x2a: {  	[sflag:s17] =	ssyncset.done $0x0  }
0x2b: {  	s1 =	simm.s32 $0x70;
	s2 =	simm.s32 $0x30;
	[sflag:s17] =	ssyncadd.s32 $0xFFFFFC00  }
0x2c: {  	s12 =	simm.s32 $0x20;
	v8 =	vor.u32 s1, v1;
	s23 =	simm.s32 $0x60;
	_ =	swait.ge [sflag:s17], $0x400  }
0x2d: {  	s13 =	simm.s32 $0x50;
	v9 =	vor.u32 s2, v1;
	v11 =	vor.u32 s23, v1;
	s23 =	simm.s32 $0x40;
	v6 =	vbroadcast v6, $0x0;
	[sflag:s17] =	ssyncset.done $0x0  }
0x2e: {  	v13 =	vor.u32 s12, v1;
	v14 =	vor.u32 s13, v1;
	s24 =	simm.s32 $0xC0;
	v18 =	vor.u32 s23, v1;
	[sflag:s17] =	ssyncadd.s32 $0xFFFFFC00  }
0x2f: {  	vm3 =	vlt.u32 v13, v6;
	vm5 =	vlt.u32 v9, v6;
	vm8 =	vlt.u32 v14, v6;
	v7 =	vld [tilespmem:s24+$0xFFFFFFE0]  }
0x30: {  	vm6 =	vlt.u32 v8, v6;
	vm0 =	vlt.u32 v11, v6;
	v5 =	vmov s0;
	v10 =	vld [tilespmem:s24+$0x30]  }
0x31: {  	s25 =	simm.s32 $0x0;
	v12 =	vsub.s32 v8, v5;
	v15 =	vsub.s32 v13, v5;
	v13 =	vsub.s32 v14, v5;
	v16 =	vld [tilespmem:s24+$0x20]  }
0x32: {  	v14 =	vor.u32 s25, v1;
	v11 =	vsub.s32 v11, v5;
	v9 =	vsub.s32 v9, v5;
	v17 =	vld [tilespmem:s24+$0xFFFFFFC0]  }
0x33: {  	v8 =	vand.u32 $0x7FFF, v12;
	v13 =	vand.u32 $0x7FFF, v13;
	vm7 =	vlt.u32 v14, v6;
	v12 =	vld [tilespmem:s24+$0x10]  }
0x34: {  	v14 =	vsub.s32 v14, v5;
	v11 =	vand.u32 $0x7FFF, v11;
	v19 =	vadd.s32 v5, v8;
	v20 =	vld [tilespmem:s24+$0xFFFFFFF0]  }
0x35: {  	v21 =	vadd.s32 v5, v13;
	vm11 =	vlt.u32 v8, $0x800;
	v8 =	vand.u32 $0x7FFF, v15  }
0x36: {  	vm10 =	vlt.u32 v13, $0x800;
	v59 =	vadd.s32 v5, v11;
	v15 =	vadd.s32 v5, v8  }
0x37: {  	vm9 =	vlt.u32 v8, $0x800;
	v7 =	vnsel vm3, $0xFFFFFFFF, v7;
	v10 =	vnsel vm6, $0xFFFFFFFF, v10  }
0x38: {  	s23 =	simm.s32 $0x8C0;
	v16 =	vnsel vm0, $0xFFFFFFFF, v16;
	v13 =	vnsel vm7, $0xFFFFFFFF, v17;
	v7 =	vsel vm9, v15, v7  }
0x39: {  	s22 =	simm.s32 $0x4C0;
	v8 =	vnsel vm8, $0xFFFFFFFF, v12;
	v12 =	vand.u32 $0x7FFF, v14;
	v17 =	vnsel vm5, $0xFFFFFFFF, v20;
	[tilespmem:s23+$0xFFFFFFE0] =	vst v7  }
0x3a: {  	v14 =	vadd.s32 v5, v12;
	vm2 =	vlt.u32 v12, $0x800;
	v7 =	vand.u32 $0x7FFF, v9;
	v58 =	vld [tilespmem:s22+$0xFFFFFFE0]  }
0x3b: {  	s26 =	simm.s32 $0x10;
	v8 =	vsel vm10, v21, v8;
	v22 =	vadd.s32 v5, v7;
	vm12 =	vlt.u32 v7, $0x800  }
0x3c: {  	v9 =	vor.u32 s26, v1;
	[tilespmem:s23+$0x10] =	vst v8;
	v8 =	vsel vm11, v19, v10;
	v7 =	vld [tilespmem:s24+$0xFFFFFFD0];
	v17 =	vsel vm12, v22, v17  }
0x3d: {  	v23 =	vld [tilespmem:s24+$0x0];
	v10 =	vshra.s32 v19, $0x1F;
	v13 =	vsel vm2, v14, v13;
	v12 =	vsub.s32 v9, v5;
	[tilespmem:s23+$0xFFFFFFF0] =	vst v17  }
0x3e: {  	vm4 =	vlt.u32 v9, v6;
	[tilespmem:s23+$0x30] =	vst v8;
	v8 =	vshra.s32 v15, $0x1F;
	v12 =	vand.u32 $0x7FFF, v12;
	v9 =	vld [tilespmem:s22+$0xFFFFFFF0]  }
0x3f: {  	v60 =	vadd.s32 v5, v12;
	vm1 =	vlt.u32 v12, $0x800;
	v12 =	vld [tilespmem:s22+$0x10];
	v15 =	vnsel vm3, $0xFFFFFFFF, v58  }
0x40: {  	v14 =	vshra.s32 v14, $0x1F;
	[tilespmem:s23+$0xFFFFFFC0] =	vst v13;
	v13 =	vsub.s32 v18, v5;
	v8 =	vsel vm9, v8, v15;
	v15 =	vld [tilespmem:s22+$0x30]  }
0x41: {  	s24 =	simm.s32 $0xCC0;
	v62 =	vshra.s32 v22, $0x1F;
	v13 =	vand.u32 $0x7FFF, v13;
	v7 =	vnsel vm4, $0xFFFFFFFF, v7  }
0x42: {  	v61 =	vld [tilespmem:s22+$0xFFFFFFC0];
	v17 =	vshra.s32 v21, $0x1F;
	v7 =	vsel vm1, v60, v7;
	vm9 =	vlt.u32 v11, $0x800;
	[tilespmem:s24+$0xFFFFFFE0] =	vst v8  }
0x43: {  	vm3 =	vlt.u32 v18, v6;
	[tilespmem:s23+$0xFFFFFFD0] =	vst v7;
	v11 =	vsel vm9, v59, v16;
	v9 =	vnsel vm5, $0xFFFFFFFF, v9  }
0x44: {  	v63 =	vnsel vm3, $0xFFFFFFFF, v23;
	v7 =	vnsel vm8, $0xFFFFFFFF, v12;
	[tilespmem:s23+$0x20] =	vst v11;
	v8 =	vsel vm12, v62, v9  }
0x45: {  	vm5 =	vlt.u32 v13, $0x800;
	v16 =	vsel vm10, v17, v7;
	[tilespmem:s24+$0xFFFFFFF0] =	vst v8;
	v8 =	vld [tilespmem:s22+$0xFFFFFFD0];
	v12 =	vnsel vm6, $0xFFFFFFFF, v15  }
0x46: {  	s28 =	simm.s32 $0xD40;
	s29 =	simm.s32 $0xF0;
	s30 =	simm.s32 $0x140;
	v7 =	vshra.s32 v60, $0x1F;
	v9 =	vadd.s32 v5, v13;
	v11 =	vsel vm11, v10, v12;
	v10 =	vld [tilespmem:s22+$0x20]  }
0x47: {  	s31 =	simm.s32 $0x940;
	s25 =	simm.s32 $0x0;
	s26 =	simm.s32 $0x540;
	[tilespmem:s24+$0x10] =	vst v16;
	v13 =	vsel vm5, v9, v63;
	v15 =	vnsel vm7, $0xFFFFFFFF, v61;
	v12 =	vshra.s32 v59, $0x1F  }
.LBB2_2:
0x48: {  	s2 =	sadd.s32 $0xFFFFFF90, s29;
	v16 =	vld [tilespmem:s30+$0xFFFFFFE0];
	s0 =	sadd.s32 $0xFFFFFFC0, s29;
	s1 =	sadd.s32 $0xFFFFFFF0, s29;
	v17 =	vor.u32 s29, v1;
	v14 =	vsel vm2, v14, v15;
	[tilespmem:s23+$0x0] =	vst v13;
	v9 =	vshra.s32 v9, $0x1F  }
0x49: {  	s23 =	sadd.s32 $0xFFFFFFB0, s29;
	s12 =	sadd.s32 $0xFFFFFFD0, s29;
	s13 =	sadd.s32 $0xFFFFFFE0, s29;
	v13 =	vor.u32 s0, v1;
	v15 =	vor.u32 s1, v1;
	v18 =	vsub.s32 v17, v5;
	[tilespmem:s24+$0xFFFFFFC0] =	vst v14;
	v14 =	vld [tilespmem:s22+$0x0]  }
0x4a: {  	s25 =	sadd.s32 $0x8, s25;
	s0 =	sadd.s32 $0xFFFFFFA0, s29;
	v19 =	vor.u32 s23, v1;
	v20 =	vor.u32 s13, v1;
	v8 =	vnsel vm4, $0xFFFFFFFF, v8;
	s22 =	smov.u32 s26;
	v21 =	vld [tilespmem:s30+$0x30];
	[tilespmem:s24+$0x30] =	vst v11  }
0x4b: {  	p0 =	slt.u32 s25, $0x38;
	s23 =	smov.u32 s31;
	v11 =	vsub.s32 v19, v5;
	v22 =	vsub.s32 v20, v5;
	v23 =	vld [tilespmem:s30+$0x20];
	v10 =	vnsel vm0, $0xFFFFFFFF, v10  }
0x4c: {  	vm11 =	vlt.u32 v19, v6;
	vm8 =	vlt.u32 v13, v6;
	v24 =	vld [tilespmem:s30+$0xFFFFFFC0];
	v10 =	vsel vm9, v12, v10  }
0x4d: {  	vm7 =	vlt.u32 v20, v6;
	v12 =	vnsel vm11, $0xFFFFFFFF, v16;
	v16 =	vor.u32 s12, v1;
	[tilespmem:s24+$0x20] =	vst v10  }
0x4e: {  	vm6 =	vlt.u32 v17, v6;
	v7 =	vsel vm1, v7, v8;
	v10 =	vand.u32 $0x7FFF, v18  }
0x4f: {  	vm0 =	vlt.u32 v15, v6;
	v8 =	vld [tilespmem:s30+$0x10];
	v17 =	vnsel vm6, $0xFFFFFFFF, v21;
	[tilespmem:s24+$0xFFFFFFD0] =	vst v7;
	v7 =	vnsel vm3, $0xFFFFFFFF, v14  }
0x50: {  	v18 =	vadd.s32 v5, v10;
	v14 =	vor.u32 s2, v1;
	v7 =	vsel vm5, v9, v7  }
0x51: {  	v19 =	vand.u32 $0x7FFF, v22;
	v15 =	vsub.s32 v15, v5;
	v20 =	vnsel vm0, $0xFFFFFFFF, v23;
	v9 =	vld [tilespmem:s30+$0xFFFFFFF0];
	[tilespmem:s24+$0x0] =	vst v7;
	s24 =	smov.u32 s28  }
0x52: {  	vm13 =	vlt.u32 v19, $0x800;
	vm10 =	vlt.u32 v14, v6;
	v7 =	vadd.s32 v5, v19  }
0x53: {  	v13 =	vsub.s32 v13, v5;
	vm12 =	vlt.u32 v10, $0x800;
	v19 =	vnsel vm10, $0xFFFFFFFF, v24  }
0x54: {  	v11 =	vand.u32 $0x7FFF, v11;
	v10 =	vsub.s32 v14, v5;
	v8 =	vnsel vm7, $0xFFFFFFFF, v8  }
0x55: {  	vm3 =	vlt.u32 v11, $0x800;
	v14 =	vadd.s32 v5, v11;
	v10 =	vand.u32 $0x7FFF, v10  }
0x56: {  	v11 =	vsel vm3, v14, v12;
	v21 =	vadd.s32 v5, v10;
	v9 =	vnsel vm8, $0xFFFFFFFF, v9  }
0x57: {  	vm2 =	vlt.u32 v10, $0x800;
	v10 =	vor.u32 s0, v1;
	v12 =	vld [tilespmem:s30+$0xFFFFFFD0];
	[tilespmem:s31+$0xFFFFFFE0] =	vst v11;
	v11 =	vand.u32 $0x7FFF, v13  }
0x58: {  	v13 =	vsub.s32 v10, v5;
	v22 =	vld [tilespmem:s26+$0xFFFFFFE0];
	v23 =	vadd.s32 v5, v11;
	vm5 =	vlt.u32 v11, $0x800  }
0x59: {  	v11 =	vand.u32 $0x7FFF, v13;
	v13 =	vand.u32 $0x7FFF, v15;
	v9 =	vsel vm5, v23, v9  }
0x5a: {  	v8 =	vsel vm13, v7, v8;
	v7 =	vshra.s32 v7, $0x1F;
	v24 =	vadd.s32 v5, v13;
	[tilespmem:s31+$0xFFFFFFF0] =	vst v9;
	v9 =	vld [tilespmem:s30+$0x0]  }
0x5b: {  	vm4 =	vlt.u32 v10, v6;
	v15 =	vshra.s32 v18, $0x1F;
	v10 =	vld [tilespmem:s26+$0xFFFFFFF0];
	[tilespmem:s31+$0x10] =	vst v8;
	v8 =	vsel vm12, v18, v17  }
0x5c: {  	vm1 =	vlt.u32 v11, $0x800;
	v17 =	vadd.s32 v5, v11;
	v11 =	vld [tilespmem:s26+$0x10];
	[tilespmem:s31+$0x30] =	vst v8  }
0x5d: {  	v8 =	vnsel vm4, $0xFFFFFFFF, v12;
	v12 =	vshra.s32 v14, $0x1F;
	v14 =	vnsel vm11, $0xFFFFFFFF, v22  }
0x5e: {  	v18 =	vsel vm2, v21, v19;
	v12 =	vsel vm3, v12, v14;
	vm3 =	vlt.u32 v16, v6;
	v14 =	vld [tilespmem:s26+$0x30]  }
0x5f: {  	v8 =	vsel vm1, v17, v8;
	v16 =	vsub.s32 v16, v5;
	[tilespmem:s31+$0xFFFFFFC0] =	vst v18;
	v18 =	vnsel vm3, $0xFFFFFFFF, v9  }
0x60: {  	v9 =	vshra.s32 v23, $0x1F;
	v19 =	vld [tilespmem:s26+$0xFFFFFFC0];
	[tilespmem:s28+$0xFFFFFFE0] =	vst v12;
	v10 =	vnsel vm8, $0xFFFFFFFF, v10;
	v12 =	vand.u32 $0x7FFF, v16  }
.Ltmp0:
0x61: {  	vm9 =	vlt.u32 v13, $0x800;
	[tilespmem:s31+$0xFFFFFFD0] =	vst v8;
	v9 =	vsel vm5, v9, v10;
	vm5 =	vlt.u32 v12, $0x800;
	(pc) =	sbr.rel @p0 .LBB2_2-.Ltmp0, $4  }
0x62: {  	v10 =	vnsel vm7, $0xFFFFFFFF, v11;
	v11 =	vsel vm9, v24, v20;
	v8 =	vld [tilespmem:s26+$0xFFFFFFD0];
	[tilespmem:s28+$0xFFFFFFF0] =	vst v9;
	v9 =	vadd.s32 v5, v12  }
0x63: {  	v12 =	vsel vm13, v7, v10;
	v13 =	vsel vm5, v9, v18;
	[tilespmem:s31+$0x20] =	vst v11;
	v11 =	vnsel vm6, $0xFFFFFFFF, v14  }
0x64: {  	v7 =	vshra.s32 v17, $0x1F;
	s26 =	sadd.s32 $0x80, s26;
	s28 =	sadd.s32 $0x80, s28;
	v10 =	vld [tilespmem:s22+$0x20];
	v11 =	vsel vm12, v15, v11  }
0x65: {  	s29 =	sadd.s32 $0x80, s29;
	s30 =	sadd.s32 $0x80, s30;
	v14 =	vshra.s32 v21, $0x1F;
	s31 =	sadd.s32 $0x80, s31;
	v15 =	vnsel vm10, $0xFFFFFFFF, v19;
	[tilespmem:s24+$0x10] =	vst v12;
	v12 =	vshra.s32 v24, $0x1F  }
0x66: {  	[tilespmem:s23+$0x0] =	vst v13  }
0x67: {  	v5 =	vld [tilespmem:s22+$0x0];
	_ =	sdelay $0x1  }
0x68: {  	v6 =	vsel vm2, v14, v15  }
0x69: {  	[tilespmem:s24+$0xFFFFFFC0] =	vst v6;
	v6 =	vnsel vm0, $0xFFFFFFFF, v10  }
0x6a: {  	[tilespmem:s24+$0x30] =	vst v11;
	v8 =	vnsel vm4, $0xFFFFFFFF, v8;
	v6 =	vsel vm9, v12, v6  }
0x6b: {  	v9 =	vshra.s32 v9, $0x1F;
	[tilespmem:s24+$0x20] =	vst v6;
	v6 =	vsel vm1, v7, v8;
	v5 =	vnsel vm3, $0xFFFFFFFF, v5  }
0x6c: {  	[tilespmem:s24+$0xFFFFFFD0] =	vst v6;
	v5 =	vsel vm5, v9, v5  }
0x6d: {  	[tilespmem:s24+$0x0] =	vst v5  }
0x6e: {  	[hbm4b:s9+s3] =	stream.linear.scatter [tilespmem:s18], [sflag:$0x2], $0x400, $0x38;
	[tilespmem:$0x1100] =	vst v63  }
0x6f: {  	_ = 	snop  }
0x70: {  	[hbm4b:s10+s3] =	stream.linear.scatter [tilespmem:s19], [sflag:$0x2], $0x400, $0x38;
	[tilespmem:$0x1100] =	vst v63  }
0x71: {  	_ =	swait.ge [sflag:s20], $0x40  }
0x72: {  	[sflag:s20] =	ssyncset.done $0x0  }
0x73: {  	s21 =	sadd.s32 $0x1, s21;
	[sflag:s20] =	ssyncadd.s32 $0xFFFFFFC0  }
0x74: {  	p0 =	sne.s32 s21, s11;
	_ =	swait.ge [sflag:s20], $0x400  }
.Ltmp1:
0x75: {  	[sflag:s20] =	ssyncset.done $0x0;
	(pc) =	sbr.rel @p0 .LBB2_1-.Ltmp1, $4  }
0x76: {  	[sflag:s20] =	ssyncadd.s32 $0xFFFFFC00  }
0x77: {  	_ =	swait.ge [sflag:s20], $0x400  }
0x78: {  	[sflag:s20] =	ssyncset.done $0x0  }
0x79: {  	[sflag:s20] =	ssyncadd.s32 $0xFFFFFC00  }
0x7a: {  	_ =	sfence.sel $0x180000  }
0x7b: {  	[bflag:$0x0] =	sbarrier.arrive $0xFFFF  }
0x7c: {  	_ =	strace $0x90000047  }
0x7d: {  	s0 =	stileid.u32;
	[bflag:$0x2] =	sbarrier.arrive $0xFFFF  }
0x7e: {  	p0 =	sne.s32 s0, $0x0;
	s0 =	rddreg [dreg:$0x3]  }
0x7f: {  	s0 =	sadd.s32 @!p0 $0x100000, s0  }
0x80: {  	[sflag:s0] =	ssyncadd.tile.s32 @!p0 $0x1;
	_ =	shalt  }
.Lfunc_end2:
_tile_overlayer_lowered:
.L_overlay_start_2:
0x81: {  	(tag) =	ssettag $0x2  }
0x82: {  	s0 =	rddreg [dreg:$0x0];
	s2 =	stileid.u32  }
0x83: {  	s1 =	rddreg [dreg:$0x1];
	p0 =	sne.s32 s2, $0x0  }
0x84: {  	s3 =	rddreg [dreg:$0x2];
	[bflag:$0x3] =	sbarrier.arrive $0xFFFF;
	s2 =	simm.s32 @!p0 $0x1C03  }
0x85: {  	[timem:s3], [sflag:s2] =	dma.local @!p0 [hbm:s0], s1  }
0x86: {  	s0 =	simm.s32 @!p0 $0x3  }
0x87: {  	_ =	swait.ge @!p0 [sflag:s0], s1  }
0x88: {  	s1 =	ssub.s32 @!p0 $0x0, s1;
	[sflag:s0] =	ssyncset.done @!p0 $0x0  }
0x89: {  	[sflag:s0] =	ssyncadd.s32 @!p0 s1  }
0x8a: {  	[bflag:$0x3] =	sbarrier.arrive $0xFFFF  }
0x8b: {  	_ =	shalt  }

</sc_bundles>
